<compile_context>
chip_gen: v7x
topology: tpu7x:2x2x1
jax: 0.10.2.dev20260603
libtpu: 0.0.44.dev20260713+nightly
codegen_flags: <defaults>
</compile_context>

<pallas_src>
import functools

import jax
import jax.numpy as jnp
from jax import lax
from jax.experimental import pallas as pl
from jax.experimental.pallas import tpu as pltpu
from jax.experimental.pallas import tpu_sc as plsc

_TM = 1024


_NC = 4


def _dist_argmin_body(x2_ref, e2_ref, x_ref, emb_ref, idx_ref):
    x = x_ref[0]
    x2 = x2_ref[0]
    k = emb_ref.shape[0]
    kc = k // _NC
    best_m = None
    best_i = None
    for c in range(_NC):
        emb = emb_ref[pl.ds(c * kc, kc), :]
        xe = lax.dot_general(
            x, emb, (((1,), (1,)), ((), ())),
            preferred_element_type=jnp.float32)
        d = (x2 + e2_ref[:, pl.ds(c * kc, kc)]) - 2.0 * xe
        m = jnp.min(d, axis=1, keepdims=True)
        iot = lax.broadcasted_iota(jnp.int32, d.shape, 1).astype(jnp.float32)
        cand = jnp.where(d == m, iot, jnp.float32(kc))
        idxf = jnp.min(cand, axis=1, keepdims=True) + jnp.float32(c * kc)
        if c == 0:
            best_m, best_i = m, idxf
        else:
            take = m < best_m
            best_m = jnp.minimum(best_m, m)
            best_i = jnp.where(take, idxf, best_i)
    idx_ref[0] = best_i.astype(jnp.int32)


def _nearest_code_indices(x2, e2, x, embeddings):
    bsz, t, d = x.shape
    k = embeddings.shape[0]
    grid = (bsz * t // _TM,)
    tb = _TM // t if _TM > t else 1
    return pl.pallas_call(
        _dist_argmin_body,
        grid=grid,
        in_specs=[
            pl.BlockSpec((tb, _TM // tb, 1), lambda i: (i, 0, 0)),
            pl.BlockSpec((1, k), lambda i: (0, 0)),
            pl.BlockSpec((tb, _TM // tb, d), lambda i: (i, 0, 0)),
            pl.BlockSpec((k, d), lambda i: (0, 0)),
        ],
        out_specs=pl.BlockSpec((tb, _TM // tb, 1), lambda i: (i, 0, 0)),
        out_shape=jax.ShapeDtypeStruct((bsz, t, 1), jnp.int32),
        compiler_params=pltpu.CompilerParams(
            dimension_semantics=("parallel",)),
    )(x2, e2, x, embeddings)


def _gather_rows(table, idx, bsz, t):
    b = idx.shape[0]
    d = table.shape[1]
    info = plsc.get_sparse_core_info()
    nw = info.num_cores * info.num_subcores
    b_per_w = b // nw
    t_per_w = t // b_per_w
    mesh = plsc.VectorSubcoreMesh(core_axis_name="c", subcore_axis_name="s")
    out_sd = jax.ShapeDtypeStruct((bsz, t, d), jnp.float32)

    @functools.partial(
        pl.kernel, mesh=mesh,
        out_type=(out_sd, out_sd),
        scratch_types=[
            pltpu.VMEM((b_per_w,), jnp.int32),
            pltpu.VMEM((b_per_w, d), jnp.float32),
            pltpu.SemaphoreType.DMA,
        ],
    )
    def gather_kernel(table_hbm, idx_hbm, out0_hbm, out1_hbm,
                      idx_v, rows_v, sem):
        wid = lax.axis_index("s") * info.num_cores + lax.axis_index("c")
        base = wid * b_per_w
        row = wid // t_per_w
        col = (wid % t_per_w) * b_per_w
        pltpu.sync_copy(idx_hbm.at[pl.ds(base, b_per_w)], idx_v)
        pltpu.async_copy(table_hbm.at[idx_v], rows_v, sem).wait()
        w0 = pltpu.async_copy(rows_v, out0_hbm.at[row, pl.ds(col, b_per_w)], sem)
        w1 = pltpu.async_copy(rows_v, out1_hbm.at[row, pl.ds(col, b_per_w)], sem)
        w0.wait()
        w1.wait()

    return gather_kernel(table, idx)


def kernel(x, embeddings):
    bsz, t, d = x.shape
    m = bsz * t
    x2 = jnp.sum(x * x, axis=-1, keepdims=True)
    e2 = jnp.sum(embeddings * embeddings, axis=-1)[None]
    ind = _nearest_code_indices(x2, e2, x, embeddings)
    out0, out1 = _gather_rows(embeddings, ind.reshape(m), bsz, t)
    return (out0, out1)

# --- scband reference (transcript-rebuilt; emitter-appended) ---
"""Pipeline reference for scband-vector-quantizer-39960375722359 (READ-ONLY COPY).

The authoritative reference and input builder live on the scoring server;
editing this copy changes nothing except your own understanding.
"""

import jax, jax.numpy as jnp
import numpy as np

K = 8192
EMB_DIM = 256


def setup_inputs(seed: int = 0) -> dict:
    key = jax.random.key(seed)
    kx, ke = jax.random.split(key)
    x = jax.random.normal(kx, (8, 1024, EMB_DIM), dtype=jnp.float32)
    # kaiming_uniform_ with nonlinearity='relu': bound = sqrt(6 / fan_in) * sqrt(2) / sqrt(3) ... use
    # torch formula: gain = sqrt(2), std = gain / sqrt(fan_in), bound = sqrt(3) * std
    fan_in = EMB_DIM
    bound = float(np.sqrt(3.0) * np.sqrt(2.0) / np.sqrt(fan_in))
    embeddings = jax.random.uniform(ke, (K, EMB_DIM), dtype=jnp.float32, minval=-bound, maxval=bound)
    return {"x": x, "embeddings": embeddings}


def reference(x, embeddings):
    # squared L2 distance via expanded quadratic form (same math as
    # ((x[..., None, :] - E)**2).sum(-1), rearranged to avoid the [B,T,K,D] broadcast)
    x2 = jnp.sum(x * x, axis=-1, keepdims=True)            # [B, T, 1]
    e2 = jnp.sum(embeddings * embeddings, axis=-1)          # [K]
    xe = jnp.einsum('btd,kd->btk', x, embeddings)           # [B, T, K]
    dist = x2 + e2[None, None, :] - 2.0 * xe                # [B, T, K]
    ind = jnp.argmin(dist, axis=-1)                         # [B, T]
    emb = jnp.take(embeddings, ind, axis=0)                 # [B, T, D]
    out0 = x + jax.lax.stop_gradient(emb - x)
    return (out0, emb)

if __name__ == "__main__":
    import jax
    _d = setup_inputs()
    print(jax.jit(kernel)(*tuple(_d.values())))

</pallas_src>

<mosaic_0001>
#map = affine_map<(d0, d1) -> (0, 0)>
#map1 = affine_map<(d0, d1) -> (0)>
#map2 = affine_map<(d0, d1) -> (0, 0, 0)>
module attributes {stable_mosaic.version = 14 : i64} {
  func.func @gather_kernel(%arg0: i32, %arg1: i32, %arg2: memref<8192x256xf32, #tpu.memory_space<hbm>>, %arg3: memref<8192xi32, #tpu.memory_space<hbm>>, %arg4: memref<8x1024x256xf32, #tpu.memory_space<hbm>>, %arg5: memref<8x1024x256xf32, #tpu.memory_space<hbm>>, %arg6: memref<256xi32, #tpu.memory_space<vmem>>, %arg7: memref<256x256xf32, #tpu.memory_space<vmem>>, %arg8: memref<!tpu.dma_semaphore, #tpu.memory_space<semaphore_mem>>) attributes {dimension_semantics = [#tpu.dimension_semantics<core_parallel>, #tpu.dimension_semantics<subcore_parallel>], iteration_bounds = array<i64: 2, 16>, scalar_prefetch = 0 : i64, scratch_operands = 3 : i64, tpu.core_type = #tpu.core_type<sc_vector_subcore>, window_params = [{transform_indices = #map}, {transform_indices = #map1}, {transform_indices = #map2}, {transform_indices = #map2}]} {
    %mul3A = arith.constant 2 : i32
    %mul3A_0 = arith.muli %arg1, %mul3A : i32
    %add3A = arith.addi %mul3A_0, %arg0 : i32
    %mul3A_1 = arith.constant 256 : i32
    %mul3A_2 = arith.muli %add3A, %mul3A_1 : i32
    %jit3A = arith.constant 4 : i32
    %div3A = arith.divsi %add3A, %jit3A : i32
    %sign3A = arith.constant 0 : i32
    %sign3A_3 = arith.cmpi sgt, %add3A, %sign3A : i32
    %sign3A_4 = arith.extui %sign3A_3 : i1 to i32
    %sign3A_5 = arith.constant 0 : i32
    %sign3A_6 = arith.cmpi slt, %add3A, %sign3A_5 : i32
    %sign3A_7 = arith.extui %sign3A_6 : i1 to i32
    %sign3A_8 = arith.subi %sign3A_4, %sign3A_7 : i32
    %sign3A_9 = arith.constant 0 : i32
    %sign3A_10 = arith.cmpi sgt, %jit3A, %sign3A_9 : i32
    %sign3A_11 = arith.extui %sign3A_10 : i1 to i32
    %sign3A_12 = arith.constant 0 : i32
    %sign3A_13 = arith.cmpi slt, %jit3A, %sign3A_12 : i32
    %sign3A_14 = arith.extui %sign3A_13 : i1 to i32
    %sign3A_15 = arith.subi %sign3A_11, %sign3A_14 : i32
    %ne3A = arith.cmpi ne, %sign3A_8, %sign3A_15 : i32
    %rem3A = arith.remsi %add3A, %jit3A : i32
    %ne3A_16 = arith.constant 0 : i32
    %ne3A_17 = arith.cmpi ne, %rem3A, %ne3A_16 : i32
    %and3A = arith.andi %ne3A, %ne3A_17 : i1
    %sub3A = arith.constant 1 : i32
    %sub3A_18 = arith.subi %div3A, %sub3A : i32
    %select_n3A = arith.select %and3A, %sub3A_18, %div3A : i32
    %jit3A_19 = arith.constant 4 : i32
    %eq3A = arith.constant 0 : i32
    %eq3A_20 = arith.cmpi eq, %jit3A_19, %eq3A : i32
    %jit3A_21 = arith.constant 1 : i32
    %select_n3A_22 = arith.select %eq3A_20, %jit3A_21, %jit3A_19 : i32
    %rem3A_23 = arith.remsi %add3A, %select_n3A_22 : i32
    %ne3A_24 = arith.constant 0 : i32
    %ne3A_25 = arith.cmpi ne, %rem3A_23, %ne3A_24 : i32
    %lt3A = arith.constant 0 : i32
    %lt3A_26 = arith.cmpi slt, %rem3A_23, %lt3A : i32
    %lt3A_27 = arith.constant 0 : i32
    %lt3A_28 = arith.cmpi slt, %select_n3A_22, %lt3A_27 : i32
    %ne3A_29 = arith.xori %lt3A_26, %lt3A_28 : i1
    %and3A_30 = arith.andi %ne3A_29, %ne3A_25 : i1
    %add3A_31 = arith.addi %rem3A_23, %select_n3A_22 : i32
    %select_n3A_32 = arith.select %and3A_30, %add3A_31, %rem3A_23 : i32
    %mul3A_33 = arith.constant 256 : i32
    %mul3A_34 = arith.muli %select_n3A_32, %mul3A_33 : i32
    "tpu.region"() ({
      %run_scoped3A = tpu.sem_alloc : memref<!tpu.dma_semaphore, #tpu.memory_space<semaphore_mem>>
      %dma_start3A_63 = tpu.memref_slice %arg3[%mul3A_2] : memref<8192xi32, #tpu.memory_space<hbm>> -> memref<256xi32, #tpu.memory_space<hbm>>
      %dma_start3A_64 = tpu.memref_slice %arg3[%mul3A_2] : memref<8192xi32, #tpu.memory_space<hbm>> -> memref<256xi32, #tpu.memory_space<hbm>>
      tpu.enqueue_dma source(%dma_start3A_64 : memref<256xi32, #tpu.memory_space<hbm>>) target(%arg6 : memref<256xi32, #tpu.memory_space<vmem>>) target_semaphore(%run_scoped3A : memref<!tpu.dma_semaphore, #tpu.memory_space<semaphore_mem>>)
      %dma_wait3A_65 = tpu.memref_slice %arg3[%mul3A_2] : memref<8192xi32, #tpu.memory_space<hbm>> -> memref<256xi32, #tpu.memory_space<hbm>>
      %dma_wait3A_66 = tpu.memref_slice %arg3[%mul3A_2] : memref<8192xi32, #tpu.memory_space<hbm>> -> memref<256xi32, #tpu.memory_space<hbm>>
      tpu.wait_dma2 semaphore(%run_scoped3A : memref<!tpu.dma_semaphore, #tpu.memory_space<semaphore_mem>>) src(%dma_wait3A_66 : memref<256xi32, #tpu.memory_space<hbm>>) dst(%arg6 : memref<256xi32, #tpu.memory_space<vmem>>)
      tpu.yield
    }) : () -> ()
    %dma_start3A = arith.constant 0 : i32
    %dma_start3A_35 = arith.constant 0 : i32
    %dma_start3A_36 = tpu.memref_slice %arg2[%dma_start3A, %dma_start3A_35] : memref<8192x256xf32, #tpu.memory_space<hbm>> -> memref<8192x256xf32, #tpu.memory_space<hbm>>
    tpu.enqueue_indirect_dma source(%dma_start3A_36 : memref<8192x256xf32, #tpu.memory_space<hbm>>) target(%arg7 : memref<256x256xf32, #tpu.memory_space<vmem>>) offsets(%arg6 : memref<256xi32, #tpu.memory_space<vmem>>) semaphore(%arg8 : memref<!tpu.dma_semaphore, #tpu.memory_space<semaphore_mem>>)
    %dma_wait3A = arith.constant 0 : i32
    %dma_wait3A_37 = arith.constant 0 : i32
    %dma_wait3A_38 = tpu.memref_slice %arg2[%dma_wait3A, %dma_wait3A_37] : memref<8192x256xf32, #tpu.memory_space<hbm>> -> memref<8192x256xf32, #tpu.memory_space<hbm>>
    tpu.wait_indirect_dma semaphore(%arg8 : memref<!tpu.dma_semaphore, #tpu.memory_space<semaphore_mem>>) src(%dma_wait3A_38 : memref<8192x256xf32, #tpu.memory_space<hbm>>) dst(%arg7 : memref<256x256xf32, #tpu.memory_space<vmem>>)
    %dma_start3A_39 = arith.constant 0 : i32
    %dma_start3A_40 = tpu.memref_slice %arg4[%select_n3A, %mul3A_34, %dma_start3A_39] : memref<8x1024x256xf32, #tpu.memory_space<hbm>> -> memref<1x256x256xf32, #tpu.memory_space<hbm>>
    %dma_start3A_41 = tpu.memref_squeeze %dma_start3A_40 : memref<1x256x256xf32, #tpu.memory_space<hbm>> -> memref<256x256xf32, #tpu.memory_space<hbm>>
    %dma_start3A_42 = arith.constant 0 : i32
    %dma_start3A_43 = tpu.memref_slice %arg4[%select_n3A, %mul3A_34, %dma_start3A_42] : memref<8x1024x256xf32, #tpu.memory_space<hbm>> -> memref<1x256x256xf32, #tpu.memory_space<hbm>>
    %dma_start3A_44 = tpu.memref_squeeze %dma_start3A_43 : memref<1x256x256xf32, #tpu.memory_space<hbm>> -> memref<256x256xf32, #tpu.memory_space<hbm>>
    tpu.enqueue_dma source(%arg7 : memref<256x256xf32, #tpu.memory_space<vmem>>) target(%dma_start3A_44 : memref<256x256xf32, #tpu.memory_space<hbm>>) target_semaphore(%arg8 : memref<!tpu.dma_semaphore, #tpu.memory_space<semaphore_mem>>)
    %dma_start3A_45 = arith.constant 0 : i32
    %dma_start3A_46 = tpu.memref_slice %arg5[%select_n3A, %mul3A_34, %dma_start3A_45] : memref<8x1024x256xf32, #tpu.memory_space<hbm>> -> memref<1x256x256xf32, #tpu.memory_space<hbm>>
    %dma_start3A_47 = tpu.memref_squeeze %dma_start3A_46 : memref<1x256x256xf32, #tpu.memory_space<hbm>> -> memref<256x256xf32, #tpu.memory_space<hbm>>
    %dma_start3A_48 = arith.constant 0 : i32
    %dma_start3A_49 = tpu.memref_slice %arg5[%select_n3A, %mul3A_34, %dma_start3A_48] : memref<8x1024x256xf32, #tpu.memory_space<hbm>> -> memref<1x256x256xf32, #tpu.memory_space<hbm>>
    %dma_start3A_50 = tpu.memref_squeeze %dma_start3A_49 : memref<1x256x256xf32, #tpu.memory_space<hbm>> -> memref<256x256xf32, #tpu.memory_space<hbm>>
    tpu.enqueue_dma source(%arg7 : memref<256x256xf32, #tpu.memory_space<vmem>>) target(%dma_start3A_50 : memref<256x256xf32, #tpu.memory_space<hbm>>) target_semaphore(%arg8 : memref<!tpu.dma_semaphore, #tpu.memory_space<semaphore_mem>>)
    %dma_wait3A_51 = arith.constant 0 : i32
    %dma_wait3A_52 = tpu.memref_slice %arg4[%select_n3A, %mul3A_34, %dma_wait3A_51] : memref<8x1024x256xf32, #tpu.memory_space<hbm>> -> memref<1x256x256xf32, #tpu.memory_space<hbm>>
    %dma_wait3A_53 = tpu.memref_squeeze %dma_wait3A_52 : memref<1x256x256xf32, #tpu.memory_space<hbm>> -> memref<256x256xf32, #tpu.memory_space<hbm>>
    %dma_wait3A_54 = arith.constant 0 : i32
    %dma_wait3A_55 = tpu.memref_slice %arg4[%select_n3A, %mul3A_34, %dma_wait3A_54] : memref<8x1024x256xf32, #tpu.memory_space<hbm>> -> memref<1x256x256xf32, #tpu.memory_space<hbm>>
    %dma_wait3A_56 = tpu.memref_squeeze %dma_wait3A_55 : memref<1x256x256xf32, #tpu.memory_space<hbm>> -> memref<256x256xf32, #tpu.memory_space<hbm>>
    tpu.wait_dma2 semaphore(%arg8 : memref<!tpu.dma_semaphore, #tpu.memory_space<semaphore_mem>>) src(%arg7 : memref<256x256xf32, #tpu.memory_space<vmem>>) dst(%dma_wait3A_56 : memref<256x256xf32, #tpu.memory_space<hbm>>)
    %dma_wait3A_57 = arith.constant 0 : i32
    %dma_wait3A_58 = tpu.memref_slice %arg5[%select_n3A, %mul3A_34, %dma_wait3A_57] : memref<8x1024x256xf32, #tpu.memory_space<hbm>> -> memref<1x256x256xf32, #tpu.memory_space<hbm>>
    %dma_wait3A_59 = tpu.memref_squeeze %dma_wait3A_58 : memref<1x256x256xf32, #tpu.memory_space<hbm>> -> memref<256x256xf32, #tpu.memory_space<hbm>>
    %dma_wait3A_60 = arith.constant 0 : i32
    %dma_wait3A_61 = tpu.memref_slice %arg5[%select_n3A, %mul3A_34, %dma_wait3A_60] : memref<8x1024x256xf32, #tpu.memory_space<hbm>> -> memref<1x256x256xf32, #tpu.memory_space<hbm>>
    %dma_wait3A_62 = tpu.memref_squeeze %dma_wait3A_61 : memref<1x256x256xf32, #tpu.memory_space<hbm>> -> memref<256x256xf32, #tpu.memory_space<hbm>>
    tpu.wait_dma2 semaphore(%arg8 : memref<!tpu.dma_semaphore, #tpu.memory_space<semaphore_mem>>) src(%arg7 : memref<256x256xf32, #tpu.memory_space<vmem>>) dst(%dma_wait3A_62 : memref<256x256xf32, #tpu.memory_space<hbm>>)
    return
  }
}

module attributes {stable_mosaic.version = 14 : i64} {
  func.func @_dist_argmin_body(%arg0: i32, %arg1: memref<1x1024x1xf32, #tpu.memory_space<vmem>>, %arg2: memref<1x8192xf32, #tpu.memory_space<vmem>>, %arg3: memref<1x1024x256xf32, #tpu.memory_space<vmem>>, %arg4: memref<8192x256xf32, #tpu.memory_space<vmem>>, %arg5: memref<1x1024x1xi32, #tpu.memory_space<vmem>>) attributes {dimension_semantics = [#tpu.dimension_semantics<parallel>], iteration_bounds = array<i64: 8>, scalar_prefetch = 0 : i64, scratch_operands = 0 : i64, tpu.core_type = #tpu.core_type<tc>, window_params = [{transform_indices = @transform_0, window_bounds = array<i64: 1, 1024, 1>}, {pipeline_mode = #tpu.pipeline_mode<synchronous>, transform_indices = @transform_1, window_bounds = array<i64: 1, 8192>}, {transform_indices = @transform_2, window_bounds = array<i64: 1, 1024, 256>}, {pipeline_mode = #tpu.pipeline_mode<synchronous>, transform_indices = @transform_3, window_bounds = array<i64: 8192, 256>}, {transform_indices = @transform_4, window_bounds = array<i64: 1, 1024, 1>}]} {
    %get3A = arith.constant 0 : index
    %get3A_0 = arith.constant 0 : index
    %get3A_1 = arith.constant 0 : index
    %get3A_2 = vector.load %arg3[%get3A, %get3A_0, %get3A_1] : memref<1x1024x256xf32, #tpu.memory_space<vmem>>, vector<1x1024x256xf32>
    %get3A_3 = vector.shape_cast %get3A_2 : vector<1x1024x256xf32> to vector<1024x256xf32>
    %get3A_4 = arith.constant 0 : index
    %get3A_5 = arith.constant 0 : index
    %get3A_6 = arith.constant 0 : index
    %get3A_7 = vector.load %arg1[%get3A_4, %get3A_5, %get3A_6] : memref<1x1024x1xf32, #tpu.memory_space<vmem>>, vector<1x1024x1xf32>
    %get3A_8 = vector.shape_cast %get3A_7 : vector<1x1024x1xf32> to vector<1024x1xf32>
    %get3A_9 = arith.constant 0 : index
    %get3A_10 = arith.constant 0 : index
    %get3A_11 = vector.load %arg4[%get3A_9, %get3A_10] : memref<8192x256xf32, #tpu.memory_space<vmem>>, vector<2048x256xf32>
    %dot_general3A = arith.constant dense<0.000000e+00> : vector<1024x2048xf32>
    %dot_general3A_12 = tpu.matmul %get3A_3, %get3A_11, %dot_general3A {dimension_numbers = #tpu.dot_dimension_numbers<[1], [1], [0], [0], [0, 0, 1, 0], [], []>, transpose_lhs_hint = false} : vector<1024x256xf32>, vector<2048x256xf32>, vector<1024x2048xf32> -> vector<1024x2048xf32>
    %get3A_13 = arith.constant 0 : index
    %get3A_14 = arith.constant 0 : index
    %get3A_15 = vector.load %arg2[%get3A_13, %get3A_14] : memref<1x8192xf32, #tpu.memory_space<vmem>>, vector<1x2048xf32>
    %add3A = vector.broadcast %get3A_8 : vector<1024x1xf32> to vector<1024x2048xf32>
    %add3A_16 = vector.broadcast %get3A_15 : vector<1x2048xf32> to vector<1024x2048xf32>
    %add3A_17 = arith.addf %add3A, %add3A_16 : vector<1024x2048xf32>
    %mul3A = arith.constant 2.000000e+00 : f32
    %mul3A_18 = vector.broadcast %mul3A : f32 to vector<1024x2048xf32>
    %mul3A_19 = arith.mulf %mul3A_18, %dot_general3A_12 : vector<1024x2048xf32>
    %sub3A = arith.subf %add3A_17, %mul3A_19 : vector<1024x2048xf32>
    %reduce_min3A = arith.constant dense<0x7F800000> : vector<1024xf32>
    %reduce_min3A_20 = vector.multi_reduction <minimumf>, %sub3A, %reduce_min3A [1] : vector<1024x2048xf32> to vector<1024xf32>
    %broadcast_in_dim3A = vector.shape_cast %reduce_min3A_20 : vector<1024xf32> to vector<1024x1xf32>
    %iota3A = tpu.iota {dimensions = array<i32: 1>} : vector<1024x2048xi32>
    %convert_element_type3A = arith.sitofp %iota3A : vector<1024x2048xi32> to vector<1024x2048xf32>
    %eq3A = vector.broadcast %broadcast_in_dim3A : vector<1024x1xf32> to vector<1024x2048xf32>
    %eq3A_21 = arith.cmpf oeq, %sub3A, %eq3A : vector<1024x2048xf32>
    %jit3A = arith.constant 2.048000e+03 : f32
    %broadcast_in_dim3A_22 = vector.broadcast %jit3A : f32 to vector<1024x2048xf32>
    %select_n3A = arith.select %eq3A_21, %convert_element_type3A, %broadcast_in_dim3A_22 : vector<1024x2048xi1>, vector<1024x2048xf32>
    %reduce_min3A_23 = arith.constant dense<0x7F800000> : vector<1024xf32>
    %reduce_min3A_24 = vector.multi_reduction <minimumf>, %select_n3A, %reduce_min3A_23 [1] : vector<1024x2048xf32> to vector<1024xf32>
    %broadcast_in_dim3A_25 = vector.shape_cast %reduce_min3A_24 : vector<1024xf32> to vector<1024x1xf32>
    %add3A_26 = arith.constant 0.000000e+00 : f32
    %add3A_27 = vector.broadcast %add3A_26 : f32 to vector<1024x1xf32>
    %add3A_28 = arith.addf %broadcast_in_dim3A_25, %add3A_27 : vector<1024x1xf32>
    %get3A_29 = arith.constant 2048 : index
    %get3A_30 = arith.constant 0 : index
    %get3A_31 = vector.load %arg4[%get3A_29, %get3A_30] : memref<8192x256xf32, #tpu.memory_space<vmem>>, vector<2048x256xf32>
    %dot_general3A_32 = arith.constant dense<0.000000e+00> : vector<1024x2048xf32>
    %dot_general3A_33 = tpu.matmul %get3A_3, %get3A_31, %dot_general3A_32 {dimension_numbers = #tpu.dot_dimension_numbers<[1], [1], [0], [0], [0, 0, 1, 0], [], []>, transpose_lhs_hint = false} : vector<1024x256xf32>, vector<2048x256xf32>, vector<1024x2048xf32> -> vector<1024x2048xf32>
    %get3A_34 = arith.constant 0 : index
    %get3A_35 = arith.constant 2048 : index
    %get3A_36 = vector.load %arg2[%get3A_34, %get3A_35] : memref<1x8192xf32, #tpu.memory_space<vmem>>, vector<1x2048xf32>
    %add3A_37 = vector.broadcast %get3A_8 : vector<1024x1xf32> to vector<1024x2048xf32>
    %add3A_38 = vector.broadcast %get3A_36 : vector<1x2048xf32> to vector<1024x2048xf32>
    %add3A_39 = arith.addf %add3A_37, %add3A_38 : vector<1024x2048xf32>
    %mul3A_40 = arith.constant 2.000000e+00 : f32
    %mul3A_41 = vector.broadcast %mul3A_40 : f32 to vector<1024x2048xf32>
    %mul3A_42 = arith.mulf %mul3A_41, %dot_general3A_33 : vector<1024x2048xf32>
    %sub3A_43 = arith.subf %add3A_39, %mul3A_42 : vector<1024x2048xf32>
    %reduce_min3A_44 = arith.constant dense<0x7F800000> : vector<1024xf32>
    %reduce_min3A_45 = vector.multi_reduction <minimumf>, %sub3A_43, %reduce_min3A_44 [1] : vector<1024x2048xf32> to vector<1024xf32>
    %broadcast_in_dim3A_46 = vector.shape_cast %reduce_min3A_45 : vector<1024xf32> to vector<1024x1xf32>
    %iota3A_47 = tpu.iota {dimensions = array<i32: 1>} : vector<1024x2048xi32>
    %convert_element_type3A_48 = arith.sitofp %iota3A_47 : vector<1024x2048xi32> to vector<1024x2048xf32>
    %eq3A_49 = vector.broadcast %broadcast_in_dim3A_46 : vector<1024x1xf32> to vector<1024x2048xf32>
    %eq3A_50 = arith.cmpf oeq, %sub3A_43, %eq3A_49 : vector<1024x2048xf32>
    %jit3A_51 = arith.constant 2.048000e+03 : f32
    %broadcast_in_dim3A_52 = vector.broadcast %jit3A_51 : f32 to vector<1024x2048xf32>
    %select_n3A_53 = arith.select %eq3A_50, %convert_element_type3A_48, %broadcast_in_dim3A_52 : vector<1024x2048xi1>, vector<1024x2048xf32>
    %reduce_min3A_54 = arith.constant dense<0x7F800000> : vector<1024xf32>
    %reduce_min3A_55 = vector.multi_reduction <minimumf>, %select_n3A_53, %reduce_min3A_54 [1] : vector<1024x2048xf32> to vector<1024xf32>
    %broadcast_in_dim3A_56 = vector.shape_cast %reduce_min3A_55 : vector<1024xf32> to vector<1024x1xf32>
    %add3A_57 = arith.constant 2.048000e+03 : f32
    %add3A_58 = vector.broadcast %add3A_57 : f32 to vector<1024x1xf32>
    %add3A_59 = arith.addf %broadcast_in_dim3A_56, %add3A_58 : vector<1024x1xf32>
    %lt3A = arith.cmpf olt, %broadcast_in_dim3A_46, %broadcast_in_dim3A : vector<1024x1xf32>
    %min3A = arith.minimumf %broadcast_in_dim3A, %broadcast_in_dim3A_46 : vector<1024x1xf32>
    %select_n3A_60 = arith.select %lt3A, %add3A_59, %add3A_28 : vector<1024x1xi1>, vector<1024x1xf32>
    %get3A_61 = arith.constant 4096 : index
    %get3A_62 = arith.constant 0 : index
    %get3A_63 = vector.load %arg4[%get3A_61, %get3A_62] : memref<8192x256xf32, #tpu.memory_space<vmem>>, vector<2048x256xf32>
    %dot_general3A_64 = arith.constant dense<0.000000e+00> : vector<1024x2048xf32>
    %dot_general3A_65 = tpu.matmul %get3A_3, %get3A_63, %dot_general3A_64 {dimension_numbers = #tpu.dot_dimension_numbers<[1], [1], [0], [0], [0, 0, 1, 0], [], []>, transpose_lhs_hint = false} : vector<1024x256xf32>, vector<2048x256xf32>, vector<1024x2048xf32> -> vector<1024x2048xf32>
    %get3A_66 = arith.constant 0 : index
    %get3A_67 = arith.constant 4096 : index
    %get3A_68 = vector.load %arg2[%get3A_66, %get3A_67] : memref<1x8192xf32, #tpu.memory_space<vmem>>, vector<1x2048xf32>
    %add3A_69 = vector.broadcast %get3A_8 : vector<1024x1xf32> to vector<1024x2048xf32>
    %add3A_70 = vector.broadcast %get3A_68 : vector<1x2048xf32> to vector<1024x2048xf32>
    %add3A_71 = arith.addf %add3A_69, %add3A_70 : vector<1024x2048xf32>
    %mul3A_72 = arith.constant 2.000000e+00 : f32
    %mul3A_73 = vector.broadcast %mul3A_72 : f32 to vector<1024x2048xf32>
    %mul3A_74 = arith.mulf %mul3A_73, %dot_general3A_65 : vector<1024x2048xf32>
    %sub3A_75 = arith.subf %add3A_71, %mul3A_74 : vector<1024x2048xf32>
    %reduce_min3A_76 = arith.constant dense<0x7F800000> : vector<1024xf32>
    %reduce_min3A_77 = vector.multi_reduction <minimumf>, %sub3A_75, %reduce_min3A_76 [1] : vector<1024x2048xf32> to vector<1024xf32>
    %broadcast_in_dim3A_78 = vector.shape_cast %reduce_min3A_77 : vector<1024xf32> to vector<1024x1xf32>
    %iota3A_79 = tpu.iota {dimensions = array<i32: 1>} : vector<1024x2048xi32>
    %convert_element_type3A_80 = arith.sitofp %iota3A_79 : vector<1024x2048xi32> to vector<1024x2048xf32>
    %eq3A_81 = vector.broadcast %broadcast_in_dim3A_78 : vector<1024x1xf32> to vector<1024x2048xf32>
    %eq3A_82 = arith.cmpf oeq, %sub3A_75, %eq3A_81 : vector<1024x2048xf32>
    %jit3A_83 = arith.constant 2.048000e+03 : f32
    %broadcast_in_dim3A_84 = vector.broadcast %jit3A_83 : f32 to vector<1024x2048xf32>
    %select_n3A_85 = arith.select %eq3A_82, %convert_element_type3A_80, %broadcast_in_dim3A_84 : vector<1024x2048xi1>, vector<1024x2048xf32>
    %reduce_min3A_86 = arith.constant dense<0x7F800000> : vector<1024xf32>
    %reduce_min3A_87 = vector.multi_reduction <minimumf>, %select_n3A_85, %reduce_min3A_86 [1] : vector<1024x2048xf32> to vector<1024xf32>
    %broadcast_in_dim3A_88 = vector.shape_cast %reduce_min3A_87 : vector<1024xf32> to vector<1024x1xf32>
    %add3A_89 = arith.constant 4.096000e+03 : f32
    %add3A_90 = vector.broadcast %add3A_89 : f32 to vector<1024x1xf32>
    %add3A_91 = arith.addf %broadcast_in_dim3A_88, %add3A_90 : vector<1024x1xf32>
    %lt3A_92 = arith.cmpf olt, %broadcast_in_dim3A_78, %min3A : vector<1024x1xf32>
    %min3A_93 = arith.minimumf %min3A, %broadcast_in_dim3A_78 : vector<1024x1xf32>
    %select_n3A_94 = arith.select %lt3A_92, %add3A_91, %select_n3A_60 : vector<1024x1xi1>, vector<1024x1xf32>
    %get3A_95 = arith.constant 6144 : index
    %get3A_96 = arith.constant 0 : index
    %get3A_97 = vector.load %arg4[%get3A_95, %get3A_96] : memref<8192x256xf32, #tpu.memory_space<vmem>>, vector<2048x256xf32>
    %dot_general3A_98 = arith.constant dense<0.000000e+00> : vector<1024x2048xf32>
    %dot_general3A_99 = tpu.matmul %get3A_3, %get3A_97, %dot_general3A_98 {dimension_numbers = #tpu.dot_dimension_numbers<[1], [1], [0], [0], [0, 0, 1, 0], [], []>, transpose_lhs_hint = false} : vector<1024x256xf32>, vector<2048x256xf32>, vector<1024x2048xf32> -> vector<1024x2048xf32>
    %get3A_100 = arith.constant 0 : index
    %get3A_101 = arith.constant 6144 : index
    %get3A_102 = vector.load %arg2[%get3A_100, %get3A_101] : memref<1x8192xf32, #tpu.memory_space<vmem>>, vector<1x2048xf32>
    %add3A_103 = vector.broadcast %get3A_8 : vector<1024x1xf32> to vector<1024x2048xf32>
    %add3A_104 = vector.broadcast %get3A_102 : vector<1x2048xf32> to vector<1024x2048xf32>
    %add3A_105 = arith.addf %add3A_103, %add3A_104 : vector<1024x2048xf32>
    %mul3A_106 = arith.constant 2.000000e+00 : f32
    %mul3A_107 = vector.broadcast %mul3A_106 : f32 to vector<1024x2048xf32>
    %mul3A_108 = arith.mulf %mul3A_107, %dot_general3A_99 : vector<1024x2048xf32>
    %sub3A_109 = arith.subf %add3A_105, %mul3A_108 : vector<1024x2048xf32>
    %reduce_min3A_110 = arith.constant dense<0x7F800000> : vector<1024xf32>
    %reduce_min3A_111 = vector.multi_reduction <minimumf>, %sub3A_109, %reduce_min3A_110 [1] : vector<1024x2048xf32> to vector<1024xf32>
    %broadcast_in_dim3A_112 = vector.shape_cast %reduce_min3A_111 : vector<1024xf32> to vector<1024x1xf32>
    %iota3A_113 = tpu.iota {dimensions = array<i32: 1>} : vector<1024x2048xi32>
    %convert_element_type3A_114 = arith.sitofp %iota3A_113 : vector<1024x2048xi32> to vector<1024x2048xf32>
    %eq3A_115 = vector.broadcast %broadcast_in_dim3A_112 : vector<1024x1xf32> to vector<1024x2048xf32>
    %eq3A_116 = arith.cmpf oeq, %sub3A_109, %eq3A_115 : vector<1024x2048xf32>
    %jit3A_117 = arith.constant 2.048000e+03 : f32
    %broadcast_in_dim3A_118 = vector.broadcast %jit3A_117 : f32 to vector<1024x2048xf32>
    %select_n3A_119 = arith.select %eq3A_116, %convert_element_type3A_114, %broadcast_in_dim3A_118 : vector<1024x2048xi1>, vector<1024x2048xf32>
    %reduce_min3A_120 = arith.constant dense<0x7F800000> : vector<1024xf32>
    %reduce_min3A_121 = vector.multi_reduction <minimumf>, %select_n3A_119, %reduce_min3A_120 [1] : vector<1024x2048xf32> to vector<1024xf32>
    %broadcast_in_dim3A_122 = vector.shape_cast %reduce_min3A_121 : vector<1024xf32> to vector<1024x1xf32>
    %add3A_123 = arith.constant 6.144000e+03 : f32
    %add3A_124 = vector.broadcast %add3A_123 : f32 to vector<1024x1xf32>
    %add3A_125 = arith.addf %broadcast_in_dim3A_122, %add3A_124 : vector<1024x1xf32>
    %lt3A_126 = arith.cmpf olt, %broadcast_in_dim3A_112, %min3A_93 : vector<1024x1xf32>
    %select_n3A_127 = arith.select %lt3A_126, %add3A_125, %select_n3A_94 : vector<1024x1xi1>, vector<1024x1xf32>
    %convert_element_type3A_128 = arith.fptosi %select_n3A_127 : vector<1024x1xf32> to vector<1024x1xi32>
    %swap3A = arith.constant 0 : index
    %swap3A_129 = arith.constant 0 : index
    %swap3A_130 = arith.constant 0 : index
    %swap3A_131 = vector.load %arg5[%swap3A, %swap3A_129, %swap3A_130] : memref<1x1024x1xi32, #tpu.memory_space<vmem>>, vector<1x1024x1xi32>
    %swap3A_132 = vector.shape_cast %swap3A_131 : vector<1x1024x1xi32> to vector<1024x1xi32>
    %swap3A_133 = vector.shape_cast %convert_element_type3A_128 : vector<1024x1xi32> to vector<1x1024x1xi32>
    tpu.vector_store %arg5[%swap3A, %swap3A_129, %swap3A_130], %swap3A_133 {strides = array<i32>} : memref<1x1024x1xi32, #tpu.memory_space<vmem>>, vector<1x1024x1xi32>,
    return
  }
  func.func @transform_0(%arg0: i32) -> (i32, i32, i32) {
    %c0_i32 = arith.constant 0 : i32
    %c0_i32_0 = arith.constant 0 : i32
    %c0_i32_1 = arith.constant 0 : i32
    return %arg0, %c0_i32, %c0_i32_0 : i32, i32, i32
  }
  func.func @transform_1(%arg0: i32) -> (i32, i32) {
    %c0_i32 = arith.constant 0 : i32
    %c0_i32_0 = arith.constant 0 : i32
    %c0_i32_1 = arith.constant 0 : i32
    return %c0_i32, %c0_i32_0 : i32, i32
  }
  func.func @transform_2(%arg0: i32) -> (i32, i32, i32) {
    %c0_i32 = arith.constant 0 : i32
    %c0_i32_0 = arith.constant 0 : i32
    %c0_i32_1 = arith.constant 0 : i32
    return %arg0, %c0_i32, %c0_i32_0 : i32, i32, i32
  }
  func.func @transform_3(%arg0: i32) -> (i32, i32) {
    %c0_i32 = arith.constant 0 : i32
    %c0_i32_0 = arith.constant 0 : i32
    %c0_i32_1 = arith.constant 0 : i32
    return %c0_i32, %c0_i32_0 : i32, i32
  }
  func.func @transform_4(%arg0: i32) -> (i32, i32, i32) {
    %c0_i32 = arith.constant 0 : i32
    %c0_i32_0 = arith.constant 0 : i32
    %c0_i32_1 = arith.constant 0 : i32
    return %arg0, %c0_i32, %c0_i32_0 : i32, i32, i32
  }
}

</mosaic_0001>

<sc_bundles>
// kernel: kernel.4.cloned.1.call-start
scs
__scs_entry_jumppad:
0x0: {  	(pc) =	sbr.rel $0x88, $3  }
0x1: {  	(tag) =	ssettag $0x0;
	lr =	simm.s32 $0x1  }
0x2: {  	[smem:$0x3F9F] =	sst lr;
	_ =	strace $0xD0000000  }
0x3: {  	_ = 	snop  }
0x4: {  	_ = 	snop  }
0x5: {  	_ = 	snop  }
0x6: {  	_ = 	snop  }
0x7: {  	_ = 	snop  }
__scs_overlays_trampoline_lowered:
0x8: {  	[smem:$0x3FAE] =	sst s0  }
0x9: {  	[smem:$0x3FAF] =	sst s1  }
0xa: {  	[smem:$0x3FB0] =	sst s2  }
0xb: {  	[smem:$0x3FB1] =	sst s3  }
0xc: {  	[smem:$0x3FB2] =	sst s4  }
0xd: {  	[smem:$0x3FB3] =	sst s5  }
0xe: {  	[smem:$0x3FB4] =	sst s6  }
0xf: {  	[smem:$0x3FB5] =	sst s7  }
0x10: {  	[smem:$0x3FB6] =	sst s8  }
0x11: {  	[smem:$0x3FB7] =	sst s9;
	s0 =	simm.s32 @!p0 $0x0  }
0x12: {  	s1 =	sld [smem:$0x3F9D];
	s0 =	simm.s32 @p0 $0x1  }
0x13: {  	[smem:$0x3FB8] =	sst s0;
	s0 =	simm.s32 @!p1 $0x0  }
0x14: {  	s2 =	sld [smem:$0x3F9C];
	s0 =	simm.s32 @p1 $0x1  }
0x15: {  	[smem:$0x3FB9] =	sst s0;
	s0 =	simm.s32 @!p2 $0x0  }
0x16: {  	s3 =	sld [smem:$0x3FDB];
	s0 =	simm.s32 @p2 $0x1  }
0x17: {  	s4 =	simm.s32 $0x1BF5;
	[smem:$0x3FBB] =	sst s0  }
0x18: {  	s0 =	sld [smem:$0x3F9E];
	_ =	swait.ge [sflag:s4], $0x0  }
0x19: {  	s7 =	sld [smem:$0x3F9F]  }
0x1a: {  	s8 =	sadd.s32 $0xFFFFE003, lr  }
0x1b: {  	s9 =	sadd.s32 $0xFFFFFEF7, lr;
	s5 =	simm.s32 $0xFFFFFFFF;
	p2 =	slt.u32 s8, $0xFFFFF086  }
0x1c: {  	p1 =	slt.u32 s9, $0xF7A;
	s5 =	simm.s32 @!p2 $0x0  }
0x1d: {  	s5 =	simm.s32 @p1 $0x1;
	p0 =	seq.s32 s7, s2  }
0x1e: {  	s7 =	smul.u32 @!p0 $0xF7A, s2;
	p2 =	seq.s32 @!p0 s5, $0x0  }
0x1f: {  	s9 =	smul.u32 $0xF7A, s1;
	s8 =	simm.s32 @!p0 $0x1BF5;
	p2 =	por !p2, p0  }
0x20: {  	[sflag:s8] =	ssyncset.s32 @!p0 $0xFFFFF086;
	s6 =	sadd.s32 @!p0 s3, s7;
	s7 =	simm.s32 @!p0 $0x108  }
0x21: {  	s3 =	sadd.s32 s3, s9;
	s6 =	sadd.s32 @!p0 $0x88, s6;
	s7 =	simm.s32 @p2 $0x1082  }
0x22: {  	[simem:s7], [sflag:s8] =	dma.local @!p0 [hbm:s6], $0xF7A  }
0x23: {  	s9 =	sor.u32 $0xD0000000, s2;
	s6 =	simm.s32 $0x108;
	_ =	swait.ge @!p0 [sflag:s8], $0x0  }
0x24: {  	s3 =	sadd.s32 $0x88, s3;
	s6 =	simm.s32 @!p1 $0x1082;
	[sflag:s4] =	ssyncset.s32 $0xFFFFF086  }
0x25: {  	[simem:s6], [sflag:s4] =	dma.local [hbm:s3], $0xF7A  }
0x26: {  	[smem:$0x3F9F] =	sst s1;
	(tag) =	ssettag s2;
	_ =	strace s9  }
0x27: {  	s1 =	sld [smem:$0x3FAF]  }
0x28: {  	s2 =	sld [smem:$0x3FB0]  }
0x29: {  	s4 =	sld [smem:$0x3FB2]  }
0x2a: {  	p0 =	seq.s32 s5, $0x0;
	s5 =	sld [smem:$0x3FB3]  }
0x2b: {  	s6 =	sld [smem:$0x3FB4]  }
0x2c: {  	s7 =	sld [smem:$0x3FB5]  }
0x2d: {  	s3 =	simm.s32 $0x108;
	s8 =	sld [smem:$0x3FB6]  }
0x2e: {  	s3 =	simm.s32 @!p0 $0x1082;
	s9 =	sld [smem:$0x3FB7]  }
0x2f: {  	lr =	sadd.s32 s0, s3;
	s0 =	sld [smem:$0x3FAE]  }
0x30: {  	s3 =	sld [smem:$0x3FB1]  }
0x31: {  	[smem:$0x3FBA] =	sst s10  }
0x32: {  	s10 =	sld [smem:$0x3FB8];
	_ =	sdelay $0x3  }
0x33: {  	p0 =	seq.s32 s10, $0x1;
	s10 =	sld [smem:$0x3FBA];
	_ =	sdelay $0x3  }
0x34: {  	[smem:$0x3FBA] =	sst s10  }
0x35: {  	s10 =	sld [smem:$0x3FB9];
	_ =	sdelay $0x3  }
0x36: {  	p1 =	seq.s32 s10, $0x1;
	s10 =	sld [smem:$0x3FBA];
	_ =	sdelay $0x3  }
0x37: {  	[smem:$0x3FBA] =	sst s10  }
0x38: {  	s10 =	sld [smem:$0x3FBB]  }
0x39: {  	_ = 	snop;
	(pc) =	sbr.ind lr, $3  }
0x3a: {  	_ = 	snop  }
0x3b: {  	_ = 	snop  }
0x3c: {  	p2 =	seq.s32 s10, $0x1;
	s10 =	sld [smem:$0x3FBA]  }
0x3d: {  	_ =	shalt  }
0x3e: {  	_ =	shalt  }
0x3f: {  	_ =	shalt  }
0x40: {  	_ =	shalt  }
0x41: {  	_ =	shalt  }
0x42: {  	_ =	shalt  }
0x43: {  	_ =	shalt  }
0x44: {  	_ =	shalt  }
0x45: {  	_ =	shalt  }
0x46: {  	_ =	shalt  }
0x47: {  	_ =	shalt  }
0x48: {  	_ =	shalt  }
0x49: {  	_ =	shalt  }
0x4a: {  	_ =	shalt  }
0x4b: {  	_ =	shalt  }
0x4c: {  	_ =	shalt  }
0x4d: {  	_ =	shalt  }
0x4e: {  	_ =	shalt  }
0x4f: {  	_ =	shalt  }
0x50: {  	_ =	shalt  }
0x51: {  	_ =	shalt  }
0x52: {  	_ =	shalt  }
0x53: {  	_ =	shalt  }
0x54: {  	_ =	shalt  }
0x55: {  	_ =	shalt  }
0x56: {  	_ =	shalt  }
0x57: {  	_ =	shalt  }
0x58: {  	_ =	shalt  }
0x59: {  	_ =	shalt  }
0x5a: {  	_ =	shalt  }
0x5b: {  	_ =	shalt  }
0x5c: {  	_ =	shalt  }
0x5d: {  	_ =	shalt  }
0x5e: {  	_ =	shalt  }
0x5f: {  	_ =	shalt  }
0x60: {  	_ =	shalt  }
0x61: {  	_ =	shalt  }
0x62: {  	_ =	shalt  }
0x63: {  	_ =	shalt  }
0x64: {  	_ =	shalt  }
0x65: {  	_ =	shalt  }
0x66: {  	_ =	shalt  }
0x67: {  	_ =	shalt  }
0x68: {  	_ =	shalt  }
0x69: {  	_ =	shalt  }
0x6a: {  	_ =	shalt  }
0x6b: {  	_ =	shalt  }
0x6c: {  	_ =	shalt  }
0x6d: {  	_ =	shalt  }
0x6e: {  	_ =	shalt  }
0x6f: {  	_ =	shalt  }
0x70: {  	_ =	shalt  }
0x71: {  	_ =	shalt  }
0x72: {  	_ =	shalt  }
0x73: {  	_ =	shalt  }
0x74: {  	_ =	shalt  }
0x75: {  	_ =	shalt  }
0x76: {  	_ =	shalt  }
0x77: {  	_ =	shalt  }
0x78: {  	_ =	shalt  }
0x79: {  	_ =	shalt  }
0x7a: {  	_ =	shalt  }
0x7b: {  	_ =	shalt  }
0x7c: {  	_ =	shalt  }
0x7d: {  	_ =	shalt  }
0x7e: {  	_ =	shalt  }
0x7f: {  	_ =	shalt  }
0x80: {  	_ =	shalt  }
0x81: {  	_ =	shalt  }
0x82: {  	_ =	shalt  }
0x83: {  	_ =	shalt  }
0x84: {  	_ =	shalt  }
0x85: {  	_ =	shalt  }
0x86: {  	_ =	shalt  }
0x87: {  	_ =	shalt  }
.Lfunc_end0:
.L_simem_size_0:
called_computation_lowered:
.L_overlay_start_0:
0x88: {  	s2 =	sld [smem:$0x3FD9]  }
0x89: {  	s3 =	sld [smem:$0x3FFE];
	_ =	sdelay $0x1  }
0x8a: {  	s1 =	srdreg.scid  }
0x8b: {  	s0 =	sand.u32 $0x1, s1  }
0x8c: {  	s14 =	sshll.u32 s0, $0xA;
	s2 =	sadd.s32 s3, s2  }
0x8d: {  	s2 =	sadd.s32 s2, s14  }
0x8e: {  	[smem:$0x3FC6] =	sst s2  }
0x8f: {  	_ = 	snop  }
0x90: {  	s2 =	sld [smem:$0x3FD0];
	_ =	sdelay $0x2  }
0x91: {  	s4 =	simm.s32 $0xA;
	s5 =	simm.s32 $0x10;
	s15 =	sld [smem:$0x3FC8]  }
0x92: {  	[smem:s5], [sflag:s4] =	dma.local [hbm:s2], $0x1  }
0x93: {  	_ =	swait.eq [sflag:s4], $0x1  }
0x94: {  	[sflag:s4] =	ssyncset.done $0x0  }
0x95: {  	s16 =	sld [smem:$0x10];
	[sflag:s4] =	ssyncadd.s32 $0xFFFFFFFF  }
0x96: {  	s17 =	sld [smem:$0x11];
	(tm) =	ssettm $0x1  }
0x97: {  	s18 =	sld [smem:$0x3FFB];
	_ =	sdelay $0x3  }
0x98: {  	_ =	strace s18  }
0x99: {  	s5 =	sld [smem:$0x3FFC];
	_ =	sdelay $0x3  }
0x9a: {  	_ =	strace s5  }
0x9b: {  	s5 =	sld [smem:$0x3FFD];
	_ =	sdelay $0x3  }
0x9c: {  	_ =	strace s5  }
0x9d: {  	_ =	strace $0x8FFFFFFF  }
0x9e: {  	s19 =	sld [smem:$0x3FDB];
	_ =	sdelay $0x1  }
0x9f: {  	s6 =	simm.s32 $_scs_section_size  }
0xa0: {  	s7 =	simm.s32 $_size__tile_overlayer_lowered;
	s8 =	simm.s32 $_tile_overlayer_lowered  }
0xa1: {  	s22 =	simm.s32 $0x1BFF;
	s21 =	sshll.u32 s8, $0x1;
	s5 =	sadd.s32 s6, s19  }
0xa2: {  	s9 =	simm.s32 $0x0;
	s20 =	sshll.u32 s7, $0x1;
	s7 =	sadd.s32 s21, s5  }
0xa3: {  	[timem:s9], [sflag:s22] =	dma.local [hbm:s7], s20  }
0xa4: {  	_ =	swait.ge [sflag:s22], s20  }
0xa5: {  	s6 =	ssub.s32 $0x0, s20;
	[sflag:s22] =	ssyncset.done $0x0  }
0xa6: {  	[sflag:s22] =	ssyncadd.s32 s6;
	_ =	sdelay $0x1  }
0xa7: {  	s23 =	simm.s32 $0x1B8B  }
0xa8: {  	_ =	swait.ge [sflag:s23], $0x1  }
0xa9: {  	[sflag:s23] =	ssyncset.done $0x0  }
0xaa: {  	s25 =	simm.s32 $0x1B8E;
	s24 =	sld [smem:$0x3FFE];
	[sflag:s23] =	ssyncadd.s32 $0xFFFFFFFF  }
0xab: {  	s26 =	simm.s32 $execute0_lowered;
	[smem:$0x3FD2] =	sst s25  }
0xac: {  	s7 =	sshll.u32 s26, $0x1;
	_ =	strace $0x80000046;
	[dreg:$0x1] =	wrdreg $0xFFFFFFFF  }
0xad: {  	s28 =	simm.s32 $_size_execute0_lowered;
	s5 =	sadd.s32 s5, s7;
	[dreg:$0x0] =	wrdreg $0x0  }
0xae: {  	s7 =	sshll.u32 s28, $0x1;
	[dreg:$0x2] =	wrdreg s5  }
0xaf: {  	[dreg:$0x3] =	wrdreg s7  }
0xb0: {  	[dreg:$0x4] =	wrdreg $0xC0  }
0xb1: {  	_ =	task [dreg:s9], $0x5FFFF  }
0xb2: {  	[dreg:$0x1] =	wrdreg $0xFFFFFFFF  }
0xb3: {  	[dreg:$0x0] =	wrdreg $0x60  }
0xb4: {  	[dreg:$0x2] =	wrdreg s15  }
0xb5: {  	[dreg:$0x3] =	wrdreg s24  }
0xb6: {  	[dreg:$0x4] =	wrdreg s16  }
0xb7: {  	[dreg:$0x5] =	wrdreg s17  }
0xb8: {  	[dreg:$0x6] =	wrdreg $0x9  }
0xb9: {  	_ =	task.clear_ibuf [dreg:s9], $0x7FFFF;
	_ =	strace $0x90000046  }
0xba: {  	s29 =	simm.s32 $0x9;
	_ =	strace $0x80000048  }
0xbb: {  	_ =	swait.ge [sflag:s29], $0x1  }
0xbc: {  	[sflag:s29] =	ssyncadd.s32 $0xFFFFFFFF  }
0xbd: {  	_ =	strace $0x90000048  }
0xbe: {  	_ =	sfence  }
0xbf: {  	s30 =	sld [smem:$0x0];
	_ =	sdelay $0x2  }
0xc0: {  	s31 =	sshll.u32 s1, $0xD;
	s1 =	sshrl.u32 s1, $0x2  }
0xc1: {  	s3 =	sand.u32 $0x4000, s31;
	s1 =	sadd.s32 s1, s30  }
0xc2: {  	s0 =	sor.u32 s3, s0;
	s1 =	sshll.u32 s1, $0x11  }
0xc3: {  	s0 =	sor.u32 s1, s0  }
0xc4: {  	s0 =	sadd.s32 $0x8F2B, s0  }
0xc5: {  	[sflag:s0] =	ssyncadd.remote.s32 $0x1  }
0xc6: {  	_ =	sfence.sel $0xFFFF  }
0xc7: {  	[dreg:$0x0] =	wrdreg $0xFFFFFFFF;
	(pc) =	sbr.abs _section_cstart, $3  }
0xc8: {  	[dreg:$0x1] =	wrdreg $0xFFFFFFFF  }
0xc9: {  	_ =	task.clear_ibuf [dreg:s9], $0x2FFFF;
	_ =	strace $0x9FFFFFFF  }
0xca: {  	(tm) =	ssettm $0x7FFFFFFF  }
0xcb: {  	_ =	shalt  }
tec
execute0_lowered:
.L_overlay_start_1:
0x0: {  	(tag) =	ssettag $0x1  }
0x1: {  	s1 =	rddreg [dreg:$0x0]  }
0x2: {  	s2 =	rddreg [dreg:$0x1]  }
0x3: {  	s4 =	rddreg [dreg:$0x2]  }
0x4: {  	s3 =	srdreg.scid;
	s0 =	stileid.u32  }
0x5: {  	s5 =	rddreg [dreg:$0x3];
	s18 =	simm.s32 $0x900;
	s19 =	simm.s32 $0x1100  }
0x6: {  	s21 =	simm.s32 $0x1900;
	s23 =	simm.s32 $0x2100;
	s24 =	simm.s32 $0x2900  }
0x7: {  	s25 =	simm.s32 $0x3100;
	s26 =	simm.s32 $0x3900;
	s10 =	simm.s32 $0x5900  }
0x8: {  	s11 =	simm.s32 $0x6100;
	s12 =	simm.s32 $0x6900;
	s13 =	simm.s32 $0x7100  }
0x9: {  	s14 =	simm.s32 $0x7900;
	s6 =	sand.u32 $0x1, s3;
	s3 =	simm.s32 $0x0  }
0xa: {  	s28 =	simm.s32 $0xE100;
	s29 =	simm.s32 $0xE900;
	[smem:$0x7FF] =	sst s3  }
0xb: {  	s30 =	simm.s32 $0xF100;
	_ =	strace $0x80000047;
	[dreg:$0x8] =	wrdreg s18  }
0xc: {  	s31 =	simm.s32 $0xF900;
	s7 =	sshll.u32 s0, $0x1;
	[dreg:$0x9] =	wrdreg s19  }
0xd: {  	s8 =	sshll.u32 s0, $0xE;
	s7 =	sor.u32 s6, s7;
	[dreg:$0xa] =	wrdreg s21  }
0xe: {  	s8 =	sand.u32 $0x38000, s8;
	s20 =	ssub.s32 $0x2, s6;
	[dreg:$0xb] =	wrdreg s23  }
0xf: {  	s6 =	simm.s32 $0x100;
	s9 =	sshll.u32 s7, $0xD;
	[dreg:$0xc] =	wrdreg s24  }
0x10: {  	s7 =	sshll.u32 s7, $0x5;
	s22 =	sshrl.u32 s20, $0x1;
	[dreg:$0xd] =	wrdreg s25  }
0x11: {  	[dreg:$0xe] =	wrdreg s26;
	s18 =	simm.s32 $0x9900;
	s19 =	simm.s32 $0xA100  }
0x12: {  	s21 =	simm.s32 $0xB100;
	s23 =	simm.s32 $0xC100;
	s24 =	simm.s32 $0xC900  }
0x13: {  	s25 =	simm.s32 $0xD100;
	s9 =	sand.u32 $0x6000, s9;
	s2 =	sadd.s32 s2, s7  }
0x14: {  	s26 =	simm.s32 $0xD900;
	s15 =	sor.u32 s8, s9;
	[dreg:$0x5] =	wrdreg s2  }
0x15: {  	s8 =	simm.s32 $0x4900;
	s9 =	simm.s32 $0x5100;
	s2 =	simm.s32 $0x1  }
0x16: {  	s16 =	sadd.s32 s4, s15;
	s17 =	sadd.s32 s5, s15;
	s4 =	ssub.s32 s20, s22  }
0x17: {  	v2 =	vlaneseq.u32;
	s5 =	simm.s32 $0x2;
	s15 =	simm.s32 $0x8100;
	[dreg:$0x6] =	wrdreg s16  }
0x18: {  	vm0 =	vmmov $0xffff;
	v1 =	vshrl.u32 v2, $0x3;
	s20 =	simm.s32 $0xA900;
	s22 =	simm.s32 $0xB900;
	[dreg:$0x7] =	wrdreg s17  }
0x19: {  	v0 =	vand.u32 $0x7, v2;
	v2 =	vor.u32 $0x8, v2;
	v1 =	vmul.u32 $0x8, v1;
	s4 =	smax.u32 s4, $0x1;
	s16 =	simm.s32 $0x8900;
	s17 =	simm.s32 $0x9100  }
.LBB2_1:
0x1a: {  	s0 =	rddreg [dreg:$0x5]  }
0x1b: {  	[tilespmem:s3], [sflag:$0x2] =	stream.linear.gather [hbm4b:s0+s3], $0x100, $0x38;
	[tilespmem:$0x10100] =	vst v63  }
0x1c: {  	_ =	swait.ge [sflag:s5], $0x100  }
0x1d: {  	[sflag:s5] =	ssyncset.done $0x0  }
0x1e: {  	[sflag:s5] =	ssyncadd.s32 $0xFFFFFF00  }
0x1f: {  	v3 =	vld [tilespmem:$0x0];
	_ =	sdelay $0x4  }
0x20: {  	v4 =	vshll.u32 v3, $0x1  }
0x21: {  	v3 =	vand.u32 $0x7, v3;
	v4 =	vand.u32 $0xFFFFFFF0, v4  }
0x22: {  	v3 =	vor.u32 v3, v4  }
0x23: {  	v4 =	vperm.xlane v3, v0;
	_ =	sdelay $0x1  }
0x24: {  	v3 =	vperm.xlane v3, v2;
	v4 =	vadd.s32 v1, v4;
	_ =	sdelay $0x1  }
0x25: {  	v3 =	vadd.s32 v1, v3;
	_ =	sdelay $0x2  }
0x26: {  	[tilespmem:s6], [sflag:$0x1] =	stream.indirect_vreg.gather [hbm4b:s1+s3], $0x80, v4, vm0, $0xb8;
	[tilespmem:$0x10100] =	vst v63  }
0x27: {  	s7 =	rddreg [dreg:$0x8]  }
0x28: {  	[tilespmem:s7], [sflag:$0x1] =	stream.indirect_vreg.gather [hbm4b:s1+s3], $0x80, v3, vm0, $0xb8;
	[tilespmem:$0x10100] =	vst v63  }
0x29: {  	v3 =	vld [tilespmem:$0x10];
	_ =	sdelay $0x4  }
0x2a: {  	v49 =	vshll.u32 v3, $0x1  }
0x2b: {  	v3 =	vand.u32 $0x7, v3;
	v4 =	vand.u32 $0xFFFFFFF0, v49  }
0x2c: {  	v3 =	vor.u32 v3, v4  }
0x2d: {  	v4 =	vperm.xlane v3, v0;
	_ =	sdelay $0x1  }
0x2e: {  	v3 =	vperm.xlane v3, v2;
	v4 =	vadd.s32 v1, v4;
	_ =	sdelay $0x1  }
0x2f: {  	v3 =	vadd.s32 v1, v3;
	_ =	sdelay $0x1  }
0x30: {  	s0 =	rddreg [dreg:$0x9]  }
0x31: {  	[tilespmem:s0], [sflag:$0x1] =	stream.indirect_vreg.gather [hbm4b:s1+s3], $0x80, v4, vm0, $0xb8;
	[tilespmem:$0x10100] =	vst v63  }
0x32: {  	s7 =	rddreg [dreg:$0xa]  }
0x33: {  	[tilespmem:s7], [sflag:$0x1] =	stream.indirect_vreg.gather [hbm4b:s1+s3], $0x80, v3, vm0, $0xb8;
	[tilespmem:$0x10100] =	vst v63  }
0x34: {  	v3 =	vld [tilespmem:$0x20];
	_ =	sdelay $0x4  }
0x35: {  	v50 =	vshll.u32 v3, $0x1  }
0x36: {  	v3 =	vand.u32 $0x7, v3;
	v4 =	vand.u32 $0xFFFFFFF0, v50  }
0x37: {  	v3 =	vor.u32 v3, v4  }
0x38: {  	v4 =	vperm.xlane v3, v0;
	_ =	sdelay $0x1  }
0x39: {  	v3 =	vperm.xlane v3, v2;
	v4 =	vadd.s32 v1, v4;
	_ =	sdelay $0x1  }
0x3a: {  	v3 =	vadd.s32 v1, v3;
	_ =	sdelay $0x1  }
0x3b: {  	s0 =	rddreg [dreg:$0xb]  }
0x3c: {  	[tilespmem:s0], [sflag:$0x1] =	stream.indirect_vreg.gather [hbm4b:s1+s3], $0x80, v4, vm0, $0xb8;
	[tilespmem:$0x10100] =	vst v63  }
0x3d: {  	s7 =	rddreg [dreg:$0xc]  }
0x3e: {  	[tilespmem:s7], [sflag:$0x1] =	stream.indirect_vreg.gather [hbm4b:s1+s3], $0x80, v3, vm0, $0xb8;
	[tilespmem:$0x10100] =	vst v63  }
0x3f: {  	v3 =	vld [tilespmem:$0x30];
	_ =	sdelay $0x4  }
0x40: {  	v51 =	vshll.u32 v3, $0x1  }
0x41: {  	v3 =	vand.u32 $0x7, v3;
	v4 =	vand.u32 $0xFFFFFFF0, v51  }
0x42: {  	v3 =	vor.u32 v3, v4  }
0x43: {  	v4 =	vperm.xlane v3, v0;
	_ =	sdelay $0x1  }
0x44: {  	v3 =	vperm.xlane v3, v2;
	v4 =	vadd.s32 v1, v4;
	_ =	sdelay $0x1  }
0x45: {  	v3 =	vadd.s32 v1, v3;
	_ =	sdelay $0x1  }
0x46: {  	s0 =	rddreg [dreg:$0xd]  }
0x47: {  	[tilespmem:s0], [sflag:$0x1] =	stream.indirect_vreg.gather [hbm4b:s1+s3], $0x80, v4, vm0, $0xb8;
	[tilespmem:$0x10100] =	vst v63  }
0x48: {  	s7 =	rddreg [dreg:$0xe]  }
0x49: {  	[tilespmem:s7], [sflag:$0x1] =	stream.indirect_vreg.gather [hbm4b:s1+s3], $0x80, v3, vm0, $0xb8;
	[tilespmem:$0x10100] =	vst v63  }
0x4a: {  	v3 =	vld [tilespmem:$0x40];
	_ =	sdelay $0x4  }
0x4b: {  	v52 =	vshll.u32 v3, $0x1  }
0x4c: {  	v3 =	vand.u32 $0x7, v3;
	v4 =	vand.u32 $0xFFFFFFF0, v52  }
0x4d: {  	v3 =	vor.u32 v3, v4  }
0x4e: {  	v4 =	vperm.xlane v3, v0;
	_ =	sdelay $0x1  }
0x4f: {  	v3 =	vperm.xlane v3, v2;
	v4 =	vadd.s32 v1, v4;
	_ =	sdelay $0x1  }
0x50: {  	v3 =	vadd.s32 v1, v3;
	_ =	sdelay $0x1  }
0x51: {  	s7 =	simm.s32 $0x4100  }
0x52: {  	[tilespmem:s7], [sflag:$0x1] =	stream.indirect_vreg.gather [hbm4b:s1+s3], $0x80, v4, vm0, $0xb8;
	[tilespmem:$0x10100] =	vst v63  }
0x53: {  	_ = 	snop  }
0x54: {  	[tilespmem:s8], [sflag:$0x1] =	stream.indirect_vreg.gather [hbm4b:s1+s3], $0x80, v3, vm0, $0xb8;
	[tilespmem:$0x10100] =	vst v63  }
0x55: {  	v3 =	vld [tilespmem:$0x50];
	_ =	sdelay $0x4  }
0x56: {  	v53 =	vshll.u32 v3, $0x1  }
0x57: {  	v3 =	vand.u32 $0x7, v3;
	v4 =	vand.u32 $0xFFFFFFF0, v53  }
0x58: {  	v3 =	vor.u32 v3, v4  }
0x59: {  	v4 =	vperm.xlane v3, v0;
	_ =	sdelay $0x1  }
0x5a: {  	v3 =	vperm.xlane v3, v2;
	v4 =	vadd.s32 v1, v4;
	_ =	sdelay $0x1  }
0x5b: {  	v3 =	vadd.s32 v1, v3;
	_ =	sdelay $0x2  }
0x5c: {  	[tilespmem:s9], [sflag:$0x1] =	stream.indirect_vreg.gather [hbm4b:s1+s3], $0x80, v4, vm0, $0xb8;
	[tilespmem:$0x10100] =	vst v63  }
0x5d: {  	_ = 	snop  }
0x5e: {  	[tilespmem:s10], [sflag:$0x1] =	stream.indirect_vreg.gather [hbm4b:s1+s3], $0x80, v3, vm0, $0xb8;
	[tilespmem:$0x10100] =	vst v63  }
0x5f: {  	v3 =	vld [tilespmem:$0x60];
	_ =	sdelay $0x4  }
0x60: {  	v54 =	vshll.u32 v3, $0x1  }
0x61: {  	v3 =	vand.u32 $0x7, v3;
	v4 =	vand.u32 $0xFFFFFFF0, v54  }
0x62: {  	v3 =	vor.u32 v3, v4  }
0x63: {  	v4 =	vperm.xlane v3, v0;
	_ =	sdelay $0x1  }
0x64: {  	v3 =	vperm.xlane v3, v2;
	v4 =	vadd.s32 v1, v4;
	_ =	sdelay $0x1  }
0x65: {  	v3 =	vadd.s32 v1, v3;
	_ =	sdelay $0x2  }
0x66: {  	[tilespmem:s11], [sflag:$0x1] =	stream.indirect_vreg.gather [hbm4b:s1+s3], $0x80, v4, vm0, $0xb8;
	[tilespmem:$0x10100] =	vst v63  }
0x67: {  	_ = 	snop  }
0x68: {  	[tilespmem:s12], [sflag:$0x1] =	stream.indirect_vreg.gather [hbm4b:s1+s3], $0x80, v3, vm0, $0xb8;
	[tilespmem:$0x10100] =	vst v63  }
0x69: {  	v3 =	vld [tilespmem:$0x70];
	_ =	sdelay $0x4  }
0x6a: {  	v55 =	vshll.u32 v3, $0x1  }
0x6b: {  	v3 =	vand.u32 $0x7, v3;
	v4 =	vand.u32 $0xFFFFFFF0, v55  }
0x6c: {  	v3 =	vor.u32 v3, v4  }
0x6d: {  	v4 =	vperm.xlane v3, v0;
	_ =	sdelay $0x1  }
0x6e: {  	v3 =	vperm.xlane v3, v2;
	v4 =	vadd.s32 v1, v4;
	_ =	sdelay $0x1  }
0x6f: {  	v3 =	vadd.s32 v1, v3;
	_ =	sdelay $0x2  }
0x70: {  	[tilespmem:s13], [sflag:$0x1] =	stream.indirect_vreg.gather [hbm4b:s1+s3], $0x80, v4, vm0, $0xb8;
	[tilespmem:$0x10100] =	vst v63  }
0x71: {  	_ = 	snop  }
0x72: {  	[tilespmem:s14], [sflag:$0x1] =	stream.indirect_vreg.gather [hbm4b:s1+s3], $0x80, v3, vm0, $0xb8;
	[tilespmem:$0x10100] =	vst v63  }
0x73: {  	v3 =	vld [tilespmem:$0x80];
	_ =	sdelay $0x4  }
0x74: {  	v56 =	vshll.u32 v3, $0x1  }
0x75: {  	v3 =	vand.u32 $0x7, v3;
	v4 =	vand.u32 $0xFFFFFFF0, v56  }
0x76: {  	v3 =	vor.u32 v3, v4  }
0x77: {  	v4 =	vperm.xlane v3, v0;
	_ =	sdelay $0x1  }
0x78: {  	v3 =	vperm.xlane v3, v2;
	v4 =	vadd.s32 v1, v4;
	_ =	sdelay $0x1  }
0x79: {  	v3 =	vadd.s32 v1, v3;
	_ =	sdelay $0x2  }
0x7a: {  	[tilespmem:s15], [sflag:$0x1] =	stream.indirect_vreg.gather [hbm4b:s1+s3], $0x80, v4, vm0, $0xb8;
	[tilespmem:$0x10100] =	vst v63  }
0x7b: {  	_ = 	snop  }
0x7c: {  	[tilespmem:s16], [sflag:$0x1] =	stream.indirect_vreg.gather [hbm4b:s1+s3], $0x80, v3, vm0, $0xb8;
	[tilespmem:$0x10100] =	vst v63  }
0x7d: {  	v3 =	vld [tilespmem:$0x90];
	_ =	sdelay $0x4  }
0x7e: {  	v57 =	vshll.u32 v3, $0x1  }
0x7f: {  	v3 =	vand.u32 $0x7, v3;
	v4 =	vand.u32 $0xFFFFFFF0, v57  }
0x80: {  	v3 =	vor.u32 v3, v4  }
0x81: {  	v4 =	vperm.xlane v3, v0;
	_ =	sdelay $0x1  }
0x82: {  	v3 =	vperm.xlane v3, v2;
	v4 =	vadd.s32 v1, v4;
	_ =	sdelay $0x1  }
0x83: {  	v3 =	vadd.s32 v1, v3;
	_ =	sdelay $0x2  }
0x84: {  	[tilespmem:s17], [sflag:$0x1] =	stream.indirect_vreg.gather [hbm4b:s1+s3], $0x80, v4, vm0, $0xb8;
	[tilespmem:$0x10100] =	vst v63  }
0x85: {  	_ = 	snop  }
0x86: {  	[tilespmem:s18], [sflag:$0x1] =	stream.indirect_vreg.gather [hbm4b:s1+s3], $0x80, v3, vm0, $0xb8;
	[tilespmem:$0x10100] =	vst v63  }
0x87: {  	v3 =	vld [tilespmem:$0xA0];
	_ =	sdelay $0x4  }
0x88: {  	v58 =	vshll.u32 v3, $0x1  }
0x89: {  	v3 =	vand.u32 $0x7, v3;
	v4 =	vand.u32 $0xFFFFFFF0, v58  }
0x8a: {  	v3 =	vor.u32 v3, v4  }
0x8b: {  	v4 =	vperm.xlane v3, v0;
	_ =	sdelay $0x1  }
0x8c: {  	v3 =	vperm.xlane v3, v2;
	v4 =	vadd.s32 v1, v4;
	_ =	sdelay $0x1  }
0x8d: {  	v3 =	vadd.s32 v1, v3;
	_ =	sdelay $0x2  }
0x8e: {  	[tilespmem:s19], [sflag:$0x1] =	stream.indirect_vreg.gather [hbm4b:s1+s3], $0x80, v4, vm0, $0xb8;
	[tilespmem:$0x10100] =	vst v63  }
0x8f: {  	_ = 	snop  }
0x90: {  	[tilespmem:s20], [sflag:$0x1] =	stream.indirect_vreg.gather [hbm4b:s1+s3], $0x80, v3, vm0, $0xb8;
	[tilespmem:$0x10100] =	vst v63  }
0x91: {  	v3 =	vld [tilespmem:$0xB0];
	_ =	sdelay $0x4  }
0x92: {  	v59 =	vshll.u32 v3, $0x1  }
0x93: {  	v3 =	vand.u32 $0x7, v3;
	v4 =	vand.u32 $0xFFFFFFF0, v59  }
0x94: {  	v3 =	vor.u32 v3, v4  }
0x95: {  	v4 =	vperm.xlane v3, v0;
	_ =	sdelay $0x1  }
0x96: {  	v3 =	vperm.xlane v3, v2;
	v4 =	vadd.s32 v1, v4;
	_ =	sdelay $0x1  }
0x97: {  	v3 =	vadd.s32 v1, v3;
	_ =	sdelay $0x2  }
0x98: {  	[tilespmem:s21], [sflag:$0x1] =	stream.indirect_vreg.gather [hbm4b:s1+s3], $0x80, v4, vm0, $0xb8;
	[tilespmem:$0x10100] =	vst v63  }
0x99: {  	_ = 	snop  }
0x9a: {  	[tilespmem:s22], [sflag:$0x1] =	stream.indirect_vreg.gather [hbm4b:s1+s3], $0x80, v3, vm0, $0xb8;
	[tilespmem:$0x10100] =	vst v63  }
0x9b: {  	v3 =	vld [tilespmem:$0xC0];
	_ =	sdelay $0x4  }
0x9c: {  	v60 =	vshll.u32 v3, $0x1  }
0x9d: {  	v3 =	vand.u32 $0x7, v3;
	v4 =	vand.u32 $0xFFFFFFF0, v60  }
0x9e: {  	v3 =	vor.u32 v3, v4  }
0x9f: {  	v4 =	vperm.xlane v3, v0;
	_ =	sdelay $0x1  }
0xa0: {  	v3 =	vperm.xlane v3, v2;
	v4 =	vadd.s32 v1, v4;
	_ =	sdelay $0x1  }
0xa1: {  	v3 =	vadd.s32 v1, v3;
	_ =	sdelay $0x2  }
0xa2: {  	[tilespmem:s23], [sflag:$0x1] =	stream.indirect_vreg.gather [hbm4b:s1+s3], $0x80, v4, vm0, $0xb8;
	[tilespmem:$0x10100] =	vst v63  }
0xa3: {  	_ = 	snop  }
0xa4: {  	[tilespmem:s24], [sflag:$0x1] =	stream.indirect_vreg.gather [hbm4b:s1+s3], $0x80, v3, vm0, $0xb8;
	[tilespmem:$0x10100] =	vst v63  }
0xa5: {  	v3 =	vld [tilespmem:$0xD0];
	_ =	sdelay $0x4  }
0xa6: {  	v61 =	vshll.u32 v3, $0x1  }
0xa7: {  	v3 =	vand.u32 $0x7, v3;
	v4 =	vand.u32 $0xFFFFFFF0, v61  }
0xa8: {  	v3 =	vor.u32 v3, v4  }
0xa9: {  	v4 =	vperm.xlane v3, v0;
	_ =	sdelay $0x1  }
0xaa: {  	v3 =	vperm.xlane v3, v2;
	v4 =	vadd.s32 v1, v4;
	_ =	sdelay $0x1  }
0xab: {  	v3 =	vadd.s32 v1, v3;
	_ =	sdelay $0x2  }
0xac: {  	[tilespmem:s25], [sflag:$0x1] =	stream.indirect_vreg.gather [hbm4b:s1+s3], $0x80, v4, vm0, $0xb8;
	[tilespmem:$0x10100] =	vst v63  }
0xad: {  	_ = 	snop  }
0xae: {  	[tilespmem:s26], [sflag:$0x1] =	stream.indirect_vreg.gather [hbm4b:s1+s3], $0x80, v3, vm0, $0xb8;
	[tilespmem:$0x10100] =	vst v63  }
0xaf: {  	v3 =	vld [tilespmem:$0xE0];
	_ =	sdelay $0x4  }
0xb0: {  	v62 =	vshll.u32 v3, $0x1  }
0xb1: {  	v3 =	vand.u32 $0x7, v3;
	v4 =	vand.u32 $0xFFFFFFF0, v62  }
0xb2: {  	v3 =	vor.u32 v3, v4  }
0xb3: {  	v4 =	vperm.xlane v3, v0;
	_ =	sdelay $0x1  }
0xb4: {  	v3 =	vperm.xlane v3, v2;
	v4 =	vadd.s32 v1, v4;
	_ =	sdelay $0x1  }
0xb5: {  	v3 =	vadd.s32 v1, v3;
	_ =	sdelay $0x2  }
0xb6: {  	[tilespmem:s28], [sflag:$0x1] =	stream.indirect_vreg.gather [hbm4b:s1+s3], $0x80, v4, vm0, $0xb8;
	[tilespmem:$0x10100] =	vst v63  }
0xb7: {  	_ = 	snop  }
0xb8: {  	[tilespmem:s29], [sflag:$0x1] =	stream.indirect_vreg.gather [hbm4b:s1+s3], $0x80, v3, vm0, $0xb8;
	[tilespmem:$0x10100] =	vst v63  }
0xb9: {  	v3 =	vld [tilespmem:$0xF0];
	_ =	sdelay $0x4  }
0xba: {  	v63 =	vshll.u32 v3, $0x1  }
0xbb: {  	v3 =	vand.u32 $0x7, v3;
	v4 =	vand.u32 $0xFFFFFFF0, v63  }
0xbc: {  	v3 =	vor.u32 v3, v4  }
0xbd: {  	v4 =	vperm.xlane v3, v0;
	_ =	sdelay $0x1  }
0xbe: {  	v3 =	vperm.xlane v3, v2;
	v4 =	vadd.s32 v1, v4;
	_ =	sdelay $0x1  }
0xbf: {  	v3 =	vadd.s32 v1, v3;
	_ =	sdelay $0x2  }
0xc0: {  	[tilespmem:s30], [sflag:$0x1] =	stream.indirect_vreg.gather [hbm4b:s1+s3], $0x80, v4, vm0, $0xb8;
	[tilespmem:$0x10100] =	vst v63  }
0xc1: {  	_ = 	snop  }
0xc2: {  	[tilespmem:s31], [sflag:$0x1] =	stream.indirect_vreg.gather [hbm4b:s1+s3], $0x80, v3, vm0, $0xb8;
	[tilespmem:$0x10100] =	vst v63  }
0xc3: {  	_ =	swait.ge [sflag:s2], $0x10000  }
0xc4: {  	[sflag:s2] =	ssyncset.done $0x0  }
0xc5: {  	s0 =	rddreg [dreg:$0x6];
	[sflag:s2] =	ssyncadd.s32 $0xFFFF0000  }
0xc6: {  	[hbm4b:s0+s3] =	stream.linear.scatter [tilespmem:s6], [sflag:$0x1], $0x10000, $0x38;
	[tilespmem:$0x10100] =	vst v63  }
0xc7: {  	s7 =	rddreg [dreg:$0x7]  }
0xc8: {  	[hbm4b:s7+s3] =	stream.linear.scatter [tilespmem:s6], [sflag:$0x1], $0x10000, $0x38;
	[tilespmem:$0x10100] =	vst v63  }
0xc9: {  	p0 =	sne.s32 s4, $0x1;
	_ =	swait.ge [sflag:s2], $0x10000  }
.Ltmp0:
0xca: {  	[sflag:s2] =	ssyncset.done $0x0;
	(pc) =	sbr.rel @p0 .LBB2_1-.Ltmp0, $4  }
0xcb: {  	[sflag:s2] =	ssyncadd.s32 $0xFFFF0000  }
0xcc: {  	_ =	swait.ge [sflag:s2], $0x10000  }
0xcd: {  	[sflag:s2] =	ssyncset.done $0x0  }
0xce: {  	s4 =	sadd.s32 $0xFFFFFFFF, s4;
	[sflag:s2] =	ssyncadd.s32 $0xFFFF0000  }
0xcf: {  	_ =	sfence.sel $0x180000  }
0xd0: {  	[bflag:$0x0] =	sbarrier.arrive $0xFFFF  }
0xd1: {  	_ =	strace $0x90000047  }
0xd2: {  	s0 =	stileid.u32;
	[bflag:$0x2] =	sbarrier.arrive $0xFFFF  }
0xd3: {  	p0 =	sne.s32 s0, $0x0;
	s0 =	rddreg [dreg:$0x4]  }
0xd4: {  	s0 =	sadd.s32 @!p0 $0x100000, s0  }
0xd5: {  	[sflag:s0] =	ssyncadd.tile.s32 @!p0 $0x1;
	_ =	shalt  }
.Lfunc_end2:
_tile_overlayer_lowered:
.L_overlay_start_2:
0xd6: {  	(tag) =	ssettag $0x2  }
0xd7: {  	s0 =	rddreg [dreg:$0x0];
	s2 =	stileid.u32  }
0xd8: {  	s1 =	rddreg [dreg:$0x1];
	p0 =	sne.s32 s2, $0x0  }
0xd9: {  	s3 =	rddreg [dreg:$0x2];
	[bflag:$0x3] =	sbarrier.arrive $0xFFFF;
	s2 =	simm.s32 @!p0 $0x1C02  }
0xda: {  	[timem:s3], [sflag:s2] =	dma.local @!p0 [hbm:s0], s1  }
0xdb: {  	s0 =	simm.s32 @!p0 $0x2  }
0xdc: {  	_ =	swait.ge @!p0 [sflag:s0], s1  }
0xdd: {  	s1 =	ssub.s32 @!p0 $0x0, s1;
	[sflag:s0] =	ssyncset.done @!p0 $0x0  }
0xde: {  	[sflag:s0] =	ssyncadd.s32 @!p0 s1  }
0xdf: {  	[bflag:$0x3] =	sbarrier.arrive $0xFFFF  }
0xe0: {  	_ =	shalt  }

</sc_bundles>
